<compile_context>
chip_gen: v7x
topology: tpu7x:2x2x1
jax: 0.10.2.dev20260603
libtpu: 0.0.44.dev20260713+nightly
codegen_flags: <defaults>
</compile_context>

<pallas_src>
import functools

import jax
import jax.numpy as jnp
from jax import lax
from jax.experimental import pallas as pl
from jax.experimental.pallas import tpu as pltpu
from jax.experimental.pallas import tpu_sc as plsc

_NUM_SC_CORES = 2
_NUM_SC_SUBCORES = 16


def _mlp_body(idx_ref, tab_hbm, w1_hbm, b1_hbm, w2_hbm, b2_hbm, out_ref,
              tab_v, w1_v, b1_v, w2_v, b2_v,
              s_tab, s_w1, s_b1, s_w2, s_b2):
    cps = [
        pltpu.make_async_copy(tab_hbm, tab_v, s_tab),
        pltpu.make_async_copy(w1_hbm, w1_v, s_w1),
        pltpu.make_async_copy(b1_hbm, b1_v, s_b1),
        pltpu.make_async_copy(w2_hbm, w2_v, s_w2),
        pltpu.make_async_copy(b2_hbm, b2_v, s_b2),
    ]
    for cp in cps:
        cp.start()

    idx_row = idx_ref[:, :]
    n_rows = tab_v.shape[0]
    rows = lax.broadcasted_iota(jnp.int32, (n_rows, idx_row.shape[1]), 0)
    onehot_t = (rows == idx_row).astype(jnp.float32)

    cps[0].wait()
    prompt = lax.dot_general(
        onehot_t, tab_v[:, :], (((0,), (0,)), ((), ())),
        preferred_element_type=jnp.float32)

    cps[1].wait()
    cps[2].wait()
    h = jnp.tanh(
        jnp.dot(prompt, w1_v[:, :], preferred_element_type=jnp.float32)
        + b1_v[:, :]
    )

    cps[3].wait()
    cps[4].wait()
    out_ref[:, :] = (
        jnp.dot(h, w2_v[:, :], preferred_element_type=jnp.float32)
        + b2_v[:, :]
    )


def _mlp_result(pre_prompt, embd_table, W1, b1, W2, b2):
    P = pre_prompt.shape[0]
    D, H = W1.shape
    N = embd_table.shape[0]
    hbm = pl.BlockSpec(memory_space=pltpu.MemorySpace.HBM)
    return pl.pallas_call(
        _mlp_body,
        in_specs=[pl.BlockSpec((1, P), lambda: (0, 0)),
                  hbm, hbm, hbm, hbm, hbm],
        out_shape=jax.ShapeDtypeStruct((P, D), jnp.float32),
        scratch_shapes=[
            pltpu.VMEM((N, D), jnp.float32),
            pltpu.VMEM((D, H), jnp.float32),
            pltpu.VMEM((1, H), jnp.float32),
            pltpu.VMEM((H, D), jnp.float32),
            pltpu.VMEM((1, D), jnp.float32),
            pltpu.SemaphoreType.DMA,
            pltpu.SemaphoreType.DMA,
            pltpu.SemaphoreType.DMA,
            pltpu.SemaphoreType.DMA,
            pltpu.SemaphoreType.DMA,
        ],
    )(
        pre_prompt.reshape(1, P),
        embd_table,
        W1,
        b1.reshape(1, H),
        W2,
        b2.reshape(1, D),
    )


def _sc_broadcast(B, P, D):
    mesh = plsc.VectorSubcoreMesh(
        core_axis_name="c", subcore_axis_name="s")

    @functools.partial(
        pl.kernel, mesh=mesh,
        out_type=jax.ShapeDtypeStruct((B, P, D), jnp.float32),
        scratch_types=[
            pltpu.VMEM((D,), jnp.float32),
            pltpu.SemaphoreType.DMA,
        ],
    )
    def k(res_hbm, out_hbm, row_v, sem):
        wid = lax.axis_index("s") * _NUM_SC_CORES + lax.axis_index("c")

        @pl.when(wid < P)
        def _():
            pltpu.sync_copy(res_hbm.at[wid], row_v)
            cps = [pltpu.make_async_copy(row_v, out_hbm.at[b, wid], sem)
                   for b in range(B)]
            for cp in cps:
                cp.start()
            for cp in cps:
                cp.wait()

    return k


def kernel(tokens, batch_size, pre_prompt, embd_table, W1, b1, W2, b2):
    B = tokens.shape[0]
    P = pre_prompt.shape[0]
    D = embd_table.shape[1]
    res = _mlp_result(pre_prompt, embd_table, W1, b1, W2, b2)
    return _sc_broadcast(B, P, D)(res)

# --- scband reference (transcript-rebuilt; emitter-appended) ---
"""Pipeline reference for scband-prompt-tuning-52329881534601 (READ-ONLY COPY).

The authoritative reference and input builder live on the scoring server;
editing this copy changes nothing except your own understanding.
"""

import jax, jax.numpy as jnp
import numpy as np

D_MODEL = 1024
HIDDEN = 256
PROMPT_LEN = 20
BATCH = 4
SEQ = 2048
VOCAB = 32000


def setup_inputs(seed: int = 0) -> dict:
    key = jax.random.key(seed)
    ks = jax.random.split(key, 6)
    tokens = jax.random.randint(ks[0], (BATCH, SEQ), 0, VOCAB, dtype=jnp.int32)
    pre_prompt = jnp.arange(PROMPT_LEN, dtype=jnp.int32)
    embd_table = jax.random.normal(ks[1], (PROMPT_LEN, D_MODEL), dtype=jnp.float32)
    W1 = jax.random.normal(ks[2], (D_MODEL, HIDDEN), dtype=jnp.float32) * 0.02
    b1 = jnp.zeros((HIDDEN,), dtype=jnp.float32)
    W2 = jax.random.normal(ks[3], (HIDDEN, D_MODEL), dtype=jnp.float32) * 0.02
    b2 = jnp.zeros((D_MODEL,), dtype=jnp.float32)
    return {
        "tokens": tokens,
        "batch_size": BATCH,
        "pre_prompt": pre_prompt,
        "embd_table": embd_table,
        "W1": W1,
        "b1": b1,
        "W2": W2,
        "b2": b2,
    }


def reference(tokens, batch_size, pre_prompt, embd_table, W1, b1, W2, b2):
    # prompt = self.pre_prompt.unsqueeze(0).expand(batch_size, -1)
    static_batch = tokens.shape[0]
    prompt_ids = jnp.broadcast_to(pre_prompt[None, :], (static_batch, pre_prompt.shape[0]))
    prompt_ids = prompt_ids + batch_size * 0
    # prompt = self.embd(prompt)  -- embedding gather
    prompt = jnp.take(embd_table, prompt_ids, axis=0)
    # prompt = self.reparam(prompt) = Linear -> Tanh -> Linear
    h = jnp.tanh(jnp.dot(prompt, W1) + b1)
    out = jnp.dot(h, W2) + b2
    return out

if __name__ == "__main__":
    import jax
    _d = setup_inputs()
    print(jax.jit(kernel)(*tuple(_d.values())))

</pallas_src>

<mosaic_0001>
#map = affine_map<(d0, d1) -> (0, 0)>
#map1 = affine_map<(d0, d1) -> (0, 0, 0)>
module attributes {stable_mosaic.version = 14 : i64} {
  func.func @k(%arg0: i32, %arg1: i32, %arg2: memref<20x1024xf32, #tpu.memory_space<hbm>>, %arg3: memref<4x20x1024xf32, #tpu.memory_space<hbm>>, %arg4: memref<1024xf32, #tpu.memory_space<vmem>>, %arg5: memref<!tpu.dma_semaphore, #tpu.memory_space<semaphore_mem>>) attributes {dimension_semantics = [#tpu.dimension_semantics<core_parallel>, #tpu.dimension_semantics<subcore_parallel>], iteration_bounds = array<i64: 2, 16>, scalar_prefetch = 0 : i64, scratch_operands = 2 : i64, tpu.core_type = #tpu.core_type<sc_vector_subcore>, window_params = [{transform_indices = #map}, {transform_indices = #map1}]} {
    %mul3A = arith.constant 2 : i32
    %mul3A_0 = arith.muli %arg1, %mul3A : i32
    %add3A = arith.addi %mul3A_0, %arg0 : i32
    %lt3A = arith.constant 20 : i32
    %lt3A_1 = arith.cmpi slt, %add3A, %lt3A : i32
    %convert_element_type3A = arith.extui %lt3A_1 : i1 to i32
    %cond3A = arith.constant 0 : i32
    %cond3A_2 = arith.cmpi ne, %convert_element_type3A, %cond3A : i32
    scf.if %cond3A_2 {
      "tpu.region"() ({
        %run_scoped3A = tpu.sem_alloc : memref<!tpu.dma_semaphore, #tpu.memory_space<semaphore_mem>>
        %dma_start3A_57 = arith.constant 0 : i32
        %dma_start3A_58 = tpu.memref_slice %arg2[%add3A, %dma_start3A_57] : memref<20x1024xf32, #tpu.memory_space<hbm>> -> memref<1x1024xf32, #tpu.memory_space<hbm>>
        %dma_start3A_59 = tpu.memref_squeeze %dma_start3A_58 : memref<1x1024xf32, #tpu.memory_space<hbm>> -> memref<1024xf32, #tpu.memory_space<hbm>>
        %dma_start3A_60 = arith.constant 0 : i32
        %dma_start3A_61 = tpu.memref_slice %arg2[%add3A, %dma_start3A_60] : memref<20x1024xf32, #tpu.memory_space<hbm>> -> memref<1x1024xf32, #tpu.memory_space<hbm>>
        %dma_start3A_62 = tpu.memref_squeeze %dma_start3A_61 : memref<1x1024xf32, #tpu.memory_space<hbm>> -> memref<1024xf32, #tpu.memory_space<hbm>>
        tpu.enqueue_dma source(%dma_start3A_62 : memref<1024xf32, #tpu.memory_space<hbm>>) target(%arg4 : memref<1024xf32, #tpu.memory_space<vmem>>) target_semaphore(%run_scoped3A : memref<!tpu.dma_semaphore, #tpu.memory_space<semaphore_mem>>)
        %dma_wait3A_63 = arith.constant 0 : i32
        %dma_wait3A_64 = tpu.memref_slice %arg2[%add3A, %dma_wait3A_63] : memref<20x1024xf32, #tpu.memory_space<hbm>> -> memref<1x1024xf32, #tpu.memory_space<hbm>>
        %dma_wait3A_65 = tpu.memref_squeeze %dma_wait3A_64 : memref<1x1024xf32, #tpu.memory_space<hbm>> -> memref<1024xf32, #tpu.memory_space<hbm>>
        %dma_wait3A_66 = arith.constant 0 : i32
        %dma_wait3A_67 = tpu.memref_slice %arg2[%add3A, %dma_wait3A_66] : memref<20x1024xf32, #tpu.memory_space<hbm>> -> memref<1x1024xf32, #tpu.memory_space<hbm>>
        %dma_wait3A_68 = tpu.memref_squeeze %dma_wait3A_67 : memref<1x1024xf32, #tpu.memory_space<hbm>> -> memref<1024xf32, #tpu.memory_space<hbm>>
        tpu.wait_dma2 semaphore(%run_scoped3A : memref<!tpu.dma_semaphore, #tpu.memory_space<semaphore_mem>>) src(%dma_wait3A_68 : memref<1024xf32, #tpu.memory_space<hbm>>) dst(%arg4 : memref<1024xf32, #tpu.memory_space<vmem>>)
        tpu.yield
      }) : () -> ()
      %dma_start3A = arith.constant 0 : i32
      %dma_start3A_3 = arith.constant 0 : i32
      %dma_start3A_4 = tpu.memref_slice %arg3[%dma_start3A, %add3A, %dma_start3A_3] : memref<4x20x1024xf32, #tpu.memory_space<hbm>> -> memref<1x1x1024xf32, #tpu.memory_space<hbm>>
      %dma_start3A_5 = tpu.memref_squeeze %dma_start3A_4 : memref<1x1x1024xf32, #tpu.memory_space<hbm>> -> memref<1024xf32, #tpu.memory_space<hbm>>
      %dma_start3A_6 = arith.constant 0 : i32
      %dma_start3A_7 = tpu.memref_slice %arg3[%dma_start3A, %add3A, %dma_start3A_6] : memref<4x20x1024xf32, #tpu.memory_space<hbm>> -> memref<1x1x1024xf32, #tpu.memory_space<hbm>>
      %dma_start3A_8 = tpu.memref_squeeze %dma_start3A_7 : memref<1x1x1024xf32, #tpu.memory_space<hbm>> -> memref<1024xf32, #tpu.memory_space<hbm>>
      tpu.enqueue_dma source(%arg4 : memref<1024xf32, #tpu.memory_space<vmem>>) target(%dma_start3A_8 : memref<1024xf32, #tpu.memory_space<hbm>>) target_semaphore(%arg5 : memref<!tpu.dma_semaphore, #tpu.memory_space<semaphore_mem>>)
      %dma_start3A_9 = arith.constant 1 : i32
      %dma_start3A_10 = arith.constant 0 : i32
      %dma_start3A_11 = tpu.memref_slice %arg3[%dma_start3A_9, %add3A, %dma_start3A_10] : memref<4x20x1024xf32, #tpu.memory_space<hbm>> -> memref<1x1x1024xf32, #tpu.memory_space<hbm>>
      %dma_start3A_12 = tpu.memref_squeeze %dma_start3A_11 : memref<1x1x1024xf32, #tpu.memory_space<hbm>> -> memref<1024xf32, #tpu.memory_space<hbm>>
      %dma_start3A_13 = arith.constant 0 : i32
      %dma_start3A_14 = tpu.memref_slice %arg3[%dma_start3A_9, %add3A, %dma_start3A_13] : memref<4x20x1024xf32, #tpu.memory_space<hbm>> -> memref<1x1x1024xf32, #tpu.memory_space<hbm>>
      %dma_start3A_15 = tpu.memref_squeeze %dma_start3A_14 : memref<1x1x1024xf32, #tpu.memory_space<hbm>> -> memref<1024xf32, #tpu.memory_space<hbm>>
      tpu.enqueue_dma source(%arg4 : memref<1024xf32, #tpu.memory_space<vmem>>) target(%dma_start3A_15 : memref<1024xf32, #tpu.memory_space<hbm>>) target_semaphore(%arg5 : memref<!tpu.dma_semaphore, #tpu.memory_space<semaphore_mem>>)
      %dma_start3A_16 = arith.constant 2 : i32
      %dma_start3A_17 = arith.constant 0 : i32
      %dma_start3A_18 = tpu.memref_slice %arg3[%dma_start3A_16, %add3A, %dma_start3A_17] : memref<4x20x1024xf32, #tpu.memory_space<hbm>> -> memref<1x1x1024xf32, #tpu.memory_space<hbm>>
      %dma_start3A_19 = tpu.memref_squeeze %dma_start3A_18 : memref<1x1x1024xf32, #tpu.memory_space<hbm>> -> memref<1024xf32, #tpu.memory_space<hbm>>
      %dma_start3A_20 = arith.constant 0 : i32
      %dma_start3A_21 = tpu.memref_slice %arg3[%dma_start3A_16, %add3A, %dma_start3A_20] : memref<4x20x1024xf32, #tpu.memory_space<hbm>> -> memref<1x1x1024xf32, #tpu.memory_space<hbm>>
      %dma_start3A_22 = tpu.memref_squeeze %dma_start3A_21 : memref<1x1x1024xf32, #tpu.memory_space<hbm>> -> memref<1024xf32, #tpu.memory_space<hbm>>
      tpu.enqueue_dma source(%arg4 : memref<1024xf32, #tpu.memory_space<vmem>>) target(%dma_start3A_22 : memref<1024xf32, #tpu.memory_space<hbm>>) target_semaphore(%arg5 : memref<!tpu.dma_semaphore, #tpu.memory_space<semaphore_mem>>)
      %dma_start3A_23 = arith.constant 3 : i32
      %dma_start3A_24 = arith.constant 0 : i32
      %dma_start3A_25 = tpu.memref_slice %arg3[%dma_start3A_23, %add3A, %dma_start3A_24] : memref<4x20x1024xf32, #tpu.memory_space<hbm>> -> memref<1x1x1024xf32, #tpu.memory_space<hbm>>
      %dma_start3A_26 = tpu.memref_squeeze %dma_start3A_25 : memref<1x1x1024xf32, #tpu.memory_space<hbm>> -> memref<1024xf32, #tpu.memory_space<hbm>>
      %dma_start3A_27 = arith.constant 0 : i32
      %dma_start3A_28 = tpu.memref_slice %arg3[%dma_start3A_23, %add3A, %dma_start3A_27] : memref<4x20x1024xf32, #tpu.memory_space<hbm>> -> memref<1x1x1024xf32, #tpu.memory_space<hbm>>
      %dma_start3A_29 = tpu.memref_squeeze %dma_start3A_28 : memref<1x1x1024xf32, #tpu.memory_space<hbm>> -> memref<1024xf32, #tpu.memory_space<hbm>>
      tpu.enqueue_dma source(%arg4 : memref<1024xf32, #tpu.memory_space<vmem>>) target(%dma_start3A_29 : memref<1024xf32, #tpu.memory_space<hbm>>) target_semaphore(%arg5 : memref<!tpu.dma_semaphore, #tpu.memory_space<semaphore_mem>>)
      %dma_wait3A = arith.constant 0 : i32
      %dma_wait3A_30 = arith.constant 0 : i32
      %dma_wait3A_31 = tpu.memref_slice %arg3[%dma_wait3A, %add3A, %dma_wait3A_30] : memref<4x20x1024xf32, #tpu.memory_space<hbm>> -> memref<1x1x1024xf32, #tpu.memory_space<hbm>>
      %dma_wait3A_32 = tpu.memref_squeeze %dma_wait3A_31 : memref<1x1x1024xf32, #tpu.memory_space<hbm>> -> memref<1024xf32, #tpu.memory_space<hbm>>
      %dma_wait3A_33 = arith.constant 0 : i32
      %dma_wait3A_34 = tpu.memref_slice %arg3[%dma_wait3A, %add3A, %dma_wait3A_33] : memref<4x20x1024xf32, #tpu.memory_space<hbm>> -> memref<1x1x1024xf32, #tpu.memory_space<hbm>>
      %dma_wait3A_35 = tpu.memref_squeeze %dma_wait3A_34 : memref<1x1x1024xf32, #tpu.memory_space<hbm>> -> memref<1024xf32, #tpu.memory_space<hbm>>
      tpu.wait_dma2 semaphore(%arg5 : memref<!tpu.dma_semaphore, #tpu.memory_space<semaphore_mem>>) src(%arg4 : memref<1024xf32, #tpu.memory_space<vmem>>) dst(%dma_wait3A_35 : memref<1024xf32, #tpu.memory_space<hbm>>)
      %dma_wait3A_36 = arith.constant 1 : i32
      %dma_wait3A_37 = arith.constant 0 : i32
      %dma_wait3A_38 = tpu.memref_slice %arg3[%dma_wait3A_36, %add3A, %dma_wait3A_37] : memref<4x20x1024xf32, #tpu.memory_space<hbm>> -> memref<1x1x1024xf32, #tpu.memory_space<hbm>>
      %dma_wait3A_39 = tpu.memref_squeeze %dma_wait3A_38 : memref<1x1x1024xf32, #tpu.memory_space<hbm>> -> memref<1024xf32, #tpu.memory_space<hbm>>
      %dma_wait3A_40 = arith.constant 0 : i32
      %dma_wait3A_41 = tpu.memref_slice %arg3[%dma_wait3A_36, %add3A, %dma_wait3A_40] : memref<4x20x1024xf32, #tpu.memory_space<hbm>> -> memref<1x1x1024xf32, #tpu.memory_space<hbm>>
      %dma_wait3A_42 = tpu.memref_squeeze %dma_wait3A_41 : memref<1x1x1024xf32, #tpu.memory_space<hbm>> -> memref<1024xf32, #tpu.memory_space<hbm>>
      tpu.wait_dma2 semaphore(%arg5 : memref<!tpu.dma_semaphore, #tpu.memory_space<semaphore_mem>>) src(%arg4 : memref<1024xf32, #tpu.memory_space<vmem>>) dst(%dma_wait3A_42 : memref<1024xf32, #tpu.memory_space<hbm>>)
      %dma_wait3A_43 = arith.constant 2 : i32
      %dma_wait3A_44 = arith.constant 0 : i32
      %dma_wait3A_45 = tpu.memref_slice %arg3[%dma_wait3A_43, %add3A, %dma_wait3A_44] : memref<4x20x1024xf32, #tpu.memory_space<hbm>> -> memref<1x1x1024xf32, #tpu.memory_space<hbm>>
      %dma_wait3A_46 = tpu.memref_squeeze %dma_wait3A_45 : memref<1x1x1024xf32, #tpu.memory_space<hbm>> -> memref<1024xf32, #tpu.memory_space<hbm>>
      %dma_wait3A_47 = arith.constant 0 : i32
      %dma_wait3A_48 = tpu.memref_slice %arg3[%dma_wait3A_43, %add3A, %dma_wait3A_47] : memref<4x20x1024xf32, #tpu.memory_space<hbm>> -> memref<1x1x1024xf32, #tpu.memory_space<hbm>>
      %dma_wait3A_49 = tpu.memref_squeeze %dma_wait3A_48 : memref<1x1x1024xf32, #tpu.memory_space<hbm>> -> memref<1024xf32, #tpu.memory_space<hbm>>
      tpu.wait_dma2 semaphore(%arg5 : memref<!tpu.dma_semaphore, #tpu.memory_space<semaphore_mem>>) src(%arg4 : memref<1024xf32, #tpu.memory_space<vmem>>) dst(%dma_wait3A_49 : memref<1024xf32, #tpu.memory_space<hbm>>)
      %dma_wait3A_50 = arith.constant 3 : i32
      %dma_wait3A_51 = arith.constant 0 : i32
      %dma_wait3A_52 = tpu.memref_slice %arg3[%dma_wait3A_50, %add3A, %dma_wait3A_51] : memref<4x20x1024xf32, #tpu.memory_space<hbm>> -> memref<1x1x1024xf32, #tpu.memory_space<hbm>>
      %dma_wait3A_53 = tpu.memref_squeeze %dma_wait3A_52 : memref<1x1x1024xf32, #tpu.memory_space<hbm>> -> memref<1024xf32, #tpu.memory_space<hbm>>
      %dma_wait3A_54 = arith.constant 0 : i32
      %dma_wait3A_55 = tpu.memref_slice %arg3[%dma_wait3A_50, %add3A, %dma_wait3A_54] : memref<4x20x1024xf32, #tpu.memory_space<hbm>> -> memref<1x1x1024xf32, #tpu.memory_space<hbm>>
      %dma_wait3A_56 = tpu.memref_squeeze %dma_wait3A_55 : memref<1x1x1024xf32, #tpu.memory_space<hbm>> -> memref<1024xf32, #tpu.memory_space<hbm>>
      tpu.wait_dma2 semaphore(%arg5 : memref<!tpu.dma_semaphore, #tpu.memory_space<semaphore_mem>>) src(%arg4 : memref<1024xf32, #tpu.memory_space<vmem>>) dst(%dma_wait3A_56 : memref<1024xf32, #tpu.memory_space<hbm>>)
    } else {
    }
    return
  }
}

module attributes {stable_mosaic.version = 14 : i64} {
  func.func @_mlp_body(%arg0: memref<1x20xi32, #tpu.memory_space<vmem>>, %arg1: memref<20x1024xf32, #tpu.memory_space<hbm>>, %arg2: memref<1024x256xf32, #tpu.memory_space<hbm>>, %arg3: memref<1x256xf32, #tpu.memory_space<hbm>>, %arg4: memref<256x1024xf32, #tpu.memory_space<hbm>>, %arg5: memref<1x1024xf32, #tpu.memory_space<hbm>>, %arg6: memref<20x1024xf32, #tpu.memory_space<vmem>>, %arg7: memref<20x1024xf32, #tpu.memory_space<vmem>>, %arg8: memref<1024x256xf32, #tpu.memory_space<vmem>>, %arg9: memref<1x256xf32, #tpu.memory_space<vmem>>, %arg10: memref<256x1024xf32, #tpu.memory_space<vmem>>, %arg11: memref<1x1024xf32, #tpu.memory_space<vmem>>, %arg12: memref<!tpu.dma_semaphore, #tpu.memory_space<semaphore_mem>>, %arg13: memref<!tpu.dma_semaphore, #tpu.memory_space<semaphore_mem>>, %arg14: memref<!tpu.dma_semaphore, #tpu.memory_space<semaphore_mem>>, %arg15: memref<!tpu.dma_semaphore, #tpu.memory_space<semaphore_mem>>, %arg16: memref<!tpu.dma_semaphore, #tpu.memory_space<semaphore_mem>>) attributes {dimension_semantics = [], scalar_prefetch = 0 : i64, scratch_operands = 10 : i64, tpu.core_type = #tpu.core_type<tc>} {
    tpu.enqueue_dma source(%arg1 : memref<20x1024xf32, #tpu.memory_space<hbm>>) target(%arg7 : memref<20x1024xf32, #tpu.memory_space<vmem>>) target_semaphore(%arg12 : memref<!tpu.dma_semaphore, #tpu.memory_space<semaphore_mem>>)
    tpu.enqueue_dma source(%arg2 : memref<1024x256xf32, #tpu.memory_space<hbm>>) target(%arg8 : memref<1024x256xf32, #tpu.memory_space<vmem>>) target_semaphore(%arg13 : memref<!tpu.dma_semaphore, #tpu.memory_space<semaphore_mem>>)
    tpu.enqueue_dma source(%arg3 : memref<1x256xf32, #tpu.memory_space<hbm>>) target(%arg9 : memref<1x256xf32, #tpu.memory_space<vmem>>) target_semaphore(%arg14 : memref<!tpu.dma_semaphore, #tpu.memory_space<semaphore_mem>>)
    tpu.enqueue_dma source(%arg4 : memref<256x1024xf32, #tpu.memory_space<hbm>>) target(%arg10 : memref<256x1024xf32, #tpu.memory_space<vmem>>) target_semaphore(%arg15 : memref<!tpu.dma_semaphore, #tpu.memory_space<semaphore_mem>>)
    tpu.enqueue_dma source(%arg5 : memref<1x1024xf32, #tpu.memory_space<hbm>>) target(%arg11 : memref<1x1024xf32, #tpu.memory_space<vmem>>) target_semaphore(%arg16 : memref<!tpu.dma_semaphore, #tpu.memory_space<semaphore_mem>>)
    %get3A = arith.constant 0 : index
    %get3A_0 = arith.constant 0 : index
    %get3A_1 = vector.load %arg0[%get3A, %get3A_0] : memref<1x20xi32, #tpu.memory_space<vmem>>, vector<1x20xi32>
    %iota3A = tpu.iota {dimensions = array<i32: 0>} : vector<20x20xi32>
    %eq3A = vector.broadcast %get3A_1 : vector<1x20xi32> to vector<20x20xi32>
    %eq3A_2 = arith.cmpi eq, %iota3A, %eq3A : vector<20x20xi32>
    %convert_element_type3A = arith.extui %eq3A_2 : vector<20x20xi1> to vector<20x20xi32>
    %convert_element_type3A_3 = arith.sitofp %convert_element_type3A : vector<20x20xi32> to vector<20x20xf32>
    tpu.wait_dma2 semaphore(%arg12 : memref<!tpu.dma_semaphore, #tpu.memory_space<semaphore_mem>>) src(%arg1 : memref<20x1024xf32, #tpu.memory_space<hbm>>) dst(%arg7 : memref<20x1024xf32, #tpu.memory_space<vmem>>)
    %get3A_4 = arith.constant 0 : index
    %get3A_5 = arith.constant 0 : index
    %get3A_6 = vector.load %arg7[%get3A_4, %get3A_5] : memref<20x1024xf32, #tpu.memory_space<vmem>>, vector<20x1024xf32>
    %dot_general3A = arith.constant dense<0.000000e+00> : vector<20x1024xf32>
    %dot_general3A_7 = tpu.matmul %convert_element_type3A_3, %get3A_6, %dot_general3A {dimension_numbers = #tpu.dot_dimension_numbers<[0], [0], [1], [1], [0, 1, 1, 1], [], []>, transpose_lhs_hint = false} : vector<20x20xf32>, vector<20x1024xf32>, vector<20x1024xf32> -> vector<20x1024xf32>
    tpu.wait_dma2 semaphore(%arg13 : memref<!tpu.dma_semaphore, #tpu.memory_space<semaphore_mem>>) src(%arg2 : memref<1024x256xf32, #tpu.memory_space<hbm>>) dst(%arg8 : memref<1024x256xf32, #tpu.memory_space<vmem>>)
    tpu.wait_dma2 semaphore(%arg14 : memref<!tpu.dma_semaphore, #tpu.memory_space<semaphore_mem>>) src(%arg3 : memref<1x256xf32, #tpu.memory_space<hbm>>) dst(%arg9 : memref<1x256xf32, #tpu.memory_space<vmem>>)
    %get3A_8 = arith.constant 0 : index
    %get3A_9 = arith.constant 0 : index
    %get3A_10 = vector.load %arg8[%get3A_8, %get3A_9] : memref<1024x256xf32, #tpu.memory_space<vmem>>, vector<1024x256xf32>
    %dot_general3A_11 = arith.constant dense<0.000000e+00> : vector<20x256xf32>
    %dot_general3A_12 = tpu.matmul %dot_general3A_7, %get3A_10, %dot_general3A_11 {dimension_numbers = #tpu.dot_dimension_numbers<[1], [0], [0], [1], [0, 0, 1, 1], [], []>, transpose_lhs_hint = false} : vector<20x1024xf32>, vector<1024x256xf32>, vector<20x256xf32> -> vector<20x256xf32>
    %get3A_13 = arith.constant 0 : index
    %get3A_14 = arith.constant 0 : index
    %get3A_15 = vector.load %arg9[%get3A_13, %get3A_14] : memref<1x256xf32, #tpu.memory_space<vmem>>, vector<1x256xf32>
    %add3A = vector.broadcast %get3A_15 : vector<1x256xf32> to vector<20x256xf32>
    %add3A_16 = arith.addf %dot_general3A_12, %add3A : vector<20x256xf32>
    %tanh3A = math.tanh %add3A_16 : vector<20x256xf32>
    tpu.wait_dma2 semaphore(%arg15 : memref<!tpu.dma_semaphore, #tpu.memory_space<semaphore_mem>>) src(%arg4 : memref<256x1024xf32, #tpu.memory_space<hbm>>) dst(%arg10 : memref<256x1024xf32, #tpu.memory_space<vmem>>)
    tpu.wait_dma2 semaphore(%arg16 : memref<!tpu.dma_semaphore, #tpu.memory_space<semaphore_mem>>) src(%arg5 : memref<1x1024xf32, #tpu.memory_space<hbm>>) dst(%arg11 : memref<1x1024xf32, #tpu.memory_space<vmem>>)
    %get3A_17 = arith.constant 0 : index
    %get3A_18 = arith.constant 0 : index
    %get3A_19 = vector.load %arg10[%get3A_17, %get3A_18] : memref<256x1024xf32, #tpu.memory_space<vmem>>, vector<256x1024xf32>
    %dot_general3A_20 = arith.constant dense<0.000000e+00> : vector<20x1024xf32>
    %dot_general3A_21 = tpu.matmul %tanh3A, %get3A_19, %dot_general3A_20 {dimension_numbers = #tpu.dot_dimension_numbers<[1], [0], [0], [1], [0, 0, 1, 1], [], []>, transpose_lhs_hint = false} : vector<20x256xf32>, vector<256x1024xf32>, vector<20x1024xf32> -> vector<20x1024xf32>
    %get3A_22 = arith.constant 0 : index
    %get3A_23 = arith.constant 0 : index
    %get3A_24 = vector.load %arg11[%get3A_22, %get3A_23] : memref<1x1024xf32, #tpu.memory_space<vmem>>, vector<1x1024xf32>
    %add3A_25 = vector.broadcast %get3A_24 : vector<1x1024xf32> to vector<20x1024xf32>
    %add3A_26 = arith.addf %dot_general3A_21, %add3A_25 : vector<20x1024xf32>
    %swap3A = arith.constant 0 : index
    %swap3A_27 = arith.constant 0 : index
    %swap3A_28 = vector.load %arg6[%swap3A, %swap3A_27] : memref<20x1024xf32, #tpu.memory_space<vmem>>, vector<20x1024xf32>
    tpu.vector_store %arg6[%swap3A, %swap3A_27], %add3A_26 {strides = array<i32>} : memref<20x1024xf32, #tpu.memory_space<vmem>>, vector<20x1024xf32>,
    return
  }
}

</mosaic_0001>

<sc_bundles>
// kernel: kernel.4.cloned.1.call-start
scs
__scs_entry_jumppad:
0x0: {  	(pc) =	sbr.rel $0x88, $3  }
0x1: {  	(tag) =	ssettag $0x0;
	lr =	simm.s32 $0x1  }
0x2: {  	[smem:$0x3F9B] =	sst lr;
	_ =	strace $0xD0000000  }
0x3: {  	_ = 	snop  }
0x4: {  	_ = 	snop  }
0x5: {  	_ = 	snop  }
0x6: {  	_ = 	snop  }
0x7: {  	_ = 	snop  }
__scs_overlays_trampoline_lowered:
0x8: {  	[smem:$0x3FAA] =	sst s0  }
0x9: {  	[smem:$0x3FAB] =	sst s1  }
0xa: {  	[smem:$0x3FAC] =	sst s2  }
0xb: {  	[smem:$0x3FAD] =	sst s3  }
0xc: {  	[smem:$0x3FAE] =	sst s4  }
0xd: {  	[smem:$0x3FAF] =	sst s5  }
0xe: {  	[smem:$0x3FB0] =	sst s6  }
0xf: {  	[smem:$0x3FB1] =	sst s7  }
0x10: {  	[smem:$0x3FB2] =	sst s8  }
0x11: {  	[smem:$0x3FB3] =	sst s9;
	s0 =	simm.s32 @!p0 $0x0  }
0x12: {  	s1 =	sld [smem:$0x3F99];
	s0 =	simm.s32 @p0 $0x1  }
0x13: {  	[smem:$0x3FB4] =	sst s0;
	s0 =	simm.s32 @!p1 $0x0  }
0x14: {  	s2 =	sld [smem:$0x3F98];
	s0 =	simm.s32 @p1 $0x1  }
0x15: {  	[smem:$0x3FB5] =	sst s0;
	s0 =	simm.s32 @!p2 $0x0  }
0x16: {  	s3 =	sld [smem:$0x3FDB];
	s0 =	simm.s32 @p2 $0x1  }
0x17: {  	s4 =	simm.s32 $0x1BF5;
	[smem:$0x3FB7] =	sst s0  }
0x18: {  	s0 =	sld [smem:$0x3F9A];
	_ =	swait.ge [sflag:s4], $0x0  }
0x19: {  	s7 =	sld [smem:$0x3F9B]  }
0x1a: {  	s8 =	sadd.s32 $0xFFFFE003, lr  }
0x1b: {  	s9 =	sadd.s32 $0xFFFFFEF7, lr;
	s5 =	simm.s32 $0xFFFFFFFF;
	p2 =	slt.u32 s8, $0xFFFFF086  }
0x1c: {  	p1 =	slt.u32 s9, $0xF7A;
	s5 =	simm.s32 @!p2 $0x0  }
0x1d: {  	s5 =	simm.s32 @p1 $0x1;
	p0 =	seq.s32 s7, s2  }
0x1e: {  	s7 =	smul.u32 @!p0 $0xF7A, s2;
	p2 =	seq.s32 @!p0 s5, $0x0  }
0x1f: {  	s9 =	smul.u32 $0xF7A, s1;
	s8 =	simm.s32 @!p0 $0x1BF5;
	p2 =	por !p2, p0  }
0x20: {  	[sflag:s8] =	ssyncset.s32 @!p0 $0xFFFFF086;
	s6 =	sadd.s32 @!p0 s3, s7;
	s7 =	simm.s32 @!p0 $0x108  }
0x21: {  	s3 =	sadd.s32 s3, s9;
	s6 =	sadd.s32 @!p0 $0x88, s6;
	s7 =	simm.s32 @p2 $0x1082  }
0x22: {  	[simem:s7], [sflag:s8] =	dma.local @!p0 [hbm:s6], $0xF7A  }
0x23: {  	s9 =	sor.u32 $0xD0000000, s2;
	s6 =	simm.s32 $0x108;
	_ =	swait.ge @!p0 [sflag:s8], $0x0  }
0x24: {  	s3 =	sadd.s32 $0x88, s3;
	s6 =	simm.s32 @!p1 $0x1082;
	[sflag:s4] =	ssyncset.s32 $0xFFFFF086  }
0x25: {  	[simem:s6], [sflag:s4] =	dma.local [hbm:s3], $0xF7A  }
0x26: {  	[smem:$0x3F9B] =	sst s1;
	(tag) =	ssettag s2;
	_ =	strace s9  }
0x27: {  	s1 =	sld [smem:$0x3FAB]  }
0x28: {  	s2 =	sld [smem:$0x3FAC]  }
0x29: {  	s4 =	sld [smem:$0x3FAE]  }
0x2a: {  	p0 =	seq.s32 s5, $0x0;
	s5 =	sld [smem:$0x3FAF]  }
0x2b: {  	s6 =	sld [smem:$0x3FB0]  }
0x2c: {  	s7 =	sld [smem:$0x3FB1]  }
0x2d: {  	s3 =	simm.s32 $0x108;
	s8 =	sld [smem:$0x3FB2]  }
0x2e: {  	s3 =	simm.s32 @!p0 $0x1082;
	s9 =	sld [smem:$0x3FB3]  }
0x2f: {  	lr =	sadd.s32 s0, s3;
	s0 =	sld [smem:$0x3FAA]  }
0x30: {  	s3 =	sld [smem:$0x3FAD]  }
0x31: {  	[smem:$0x3FB6] =	sst s10  }
0x32: {  	s10 =	sld [smem:$0x3FB4];
	_ =	sdelay $0x3  }
0x33: {  	p0 =	seq.s32 s10, $0x1;
	s10 =	sld [smem:$0x3FB6];
	_ =	sdelay $0x3  }
0x34: {  	[smem:$0x3FB6] =	sst s10  }
0x35: {  	s10 =	sld [smem:$0x3FB5];
	_ =	sdelay $0x3  }
0x36: {  	p1 =	seq.s32 s10, $0x1;
	s10 =	sld [smem:$0x3FB6];
	_ =	sdelay $0x3  }
0x37: {  	[smem:$0x3FB6] =	sst s10  }
0x38: {  	s10 =	sld [smem:$0x3FB7]  }
0x39: {  	_ = 	snop;
	(pc) =	sbr.ind lr, $3  }
0x3a: {  	_ = 	snop  }
0x3b: {  	_ = 	snop  }
0x3c: {  	p2 =	seq.s32 s10, $0x1;
	s10 =	sld [smem:$0x3FB6]  }
0x3d: {  	_ =	shalt  }
0x3e: {  	_ =	shalt  }
0x3f: {  	_ =	shalt  }
0x40: {  	_ =	shalt  }
0x41: {  	_ =	shalt  }
0x42: {  	_ =	shalt  }
0x43: {  	_ =	shalt  }
0x44: {  	_ =	shalt  }
0x45: {  	_ =	shalt  }
0x46: {  	_ =	shalt  }
0x47: {  	_ =	shalt  }
0x48: {  	_ =	shalt  }
0x49: {  	_ =	shalt  }
0x4a: {  	_ =	shalt  }
0x4b: {  	_ =	shalt  }
0x4c: {  	_ =	shalt  }
0x4d: {  	_ =	shalt  }
0x4e: {  	_ =	shalt  }
0x4f: {  	_ =	shalt  }
0x50: {  	_ =	shalt  }
0x51: {  	_ =	shalt  }
0x52: {  	_ =	shalt  }
0x53: {  	_ =	shalt  }
0x54: {  	_ =	shalt  }
0x55: {  	_ =	shalt  }
0x56: {  	_ =	shalt  }
0x57: {  	_ =	shalt  }
0x58: {  	_ =	shalt  }
0x59: {  	_ =	shalt  }
0x5a: {  	_ =	shalt  }
0x5b: {  	_ =	shalt  }
0x5c: {  	_ =	shalt  }
0x5d: {  	_ =	shalt  }
0x5e: {  	_ =	shalt  }
0x5f: {  	_ =	shalt  }
0x60: {  	_ =	shalt  }
0x61: {  	_ =	shalt  }
0x62: {  	_ =	shalt  }
0x63: {  	_ =	shalt  }
0x64: {  	_ =	shalt  }
0x65: {  	_ =	shalt  }
0x66: {  	_ =	shalt  }
0x67: {  	_ =	shalt  }
0x68: {  	_ =	shalt  }
0x69: {  	_ =	shalt  }
0x6a: {  	_ =	shalt  }
0x6b: {  	_ =	shalt  }
0x6c: {  	_ =	shalt  }
0x6d: {  	_ =	shalt  }
0x6e: {  	_ =	shalt  }
0x6f: {  	_ =	shalt  }
0x70: {  	_ =	shalt  }
0x71: {  	_ =	shalt  }
0x72: {  	_ =	shalt  }
0x73: {  	_ =	shalt  }
0x74: {  	_ =	shalt  }
0x75: {  	_ =	shalt  }
0x76: {  	_ =	shalt  }
0x77: {  	_ =	shalt  }
0x78: {  	_ =	shalt  }
0x79: {  	_ =	shalt  }
0x7a: {  	_ =	shalt  }
0x7b: {  	_ =	shalt  }
0x7c: {  	_ =	shalt  }
0x7d: {  	_ =	shalt  }
0x7e: {  	_ =	shalt  }
0x7f: {  	_ =	shalt  }
0x80: {  	_ =	shalt  }
0x81: {  	_ =	shalt  }
0x82: {  	_ =	shalt  }
0x83: {  	_ =	shalt  }
0x84: {  	_ =	shalt  }
0x85: {  	_ =	shalt  }
0x86: {  	_ =	shalt  }
0x87: {  	_ =	shalt  }
.Lfunc_end0:
.L_simem_size_0:
called_computation_lowered:
.L_overlay_start_0:
0x88: {  	s2 =	sld [smem:$0x3FD9]  }
0x89: {  	s3 =	sld [smem:$0x3FFE];
	_ =	sdelay $0x1  }
0x8a: {  	s1 =	srdreg.scid  }
0x8b: {  	s0 =	sand.u32 $0x1, s1  }
0x8c: {  	s17 =	sshll.u32 s0, $0xA;
	s2 =	sadd.s32 s3, s2  }
0x8d: {  	s2 =	sadd.s32 s2, s17  }
0x8e: {  	[smem:$0x3FC2] =	sst s2  }
0x8f: {  	_ = 	snop  }
0x90: {  	s2 =	sld [smem:$0x3FD0];
	(tm) =	ssettm $0x1  }
0x91: {  	s18 =	sld [smem:$0x3FFB];
	_ =	sdelay $0x3  }
0x92: {  	_ =	strace s18  }
0x93: {  	s3 =	sld [smem:$0x3FFC];
	_ =	sdelay $0x3  }
0x94: {  	_ =	strace s3  }
0x95: {  	s3 =	sld [smem:$0x3FFD];
	_ =	sdelay $0x3  }
0x96: {  	_ =	strace s3  }
0x97: {  	_ =	strace $0x8FFFFFFF  }
0x98: {  	s19 =	sld [smem:$0x3FDB];
	_ =	sdelay $0x1  }
0x99: {  	s4 =	simm.s32 $_scs_section_size  }
0x9a: {  	s5 =	simm.s32 $_size__tile_overlayer_lowered;
	s6 =	simm.s32 $_tile_overlayer_lowered  }
0x9b: {  	s22 =	simm.s32 $0x1BFF;
	s21 =	sshll.u32 s6, $0x1;
	s3 =	sadd.s32 s4, s19  }
0x9c: {  	s7 =	simm.s32 $0x0;
	s20 =	sshll.u32 s5, $0x1;
	s5 =	sadd.s32 s21, s3  }
0x9d: {  	[timem:s7], [sflag:s22] =	dma.local [hbm:s5], s20  }
0x9e: {  	_ =	swait.ge [sflag:s22], s20  }
0x9f: {  	s4 =	ssub.s32 $0x0, s20;
	[sflag:s22] =	ssyncset.done $0x0  }
0xa0: {  	[sflag:s22] =	ssyncadd.s32 s4;
	_ =	sdelay $0x1  }
0xa1: {  	s23 =	simm.s32 $0x1B8B  }
0xa2: {  	_ =	swait.ge [sflag:s23], $0x1  }
0xa3: {  	[sflag:s23] =	ssyncset.done $0x0  }
0xa4: {  	s25 =	simm.s32 $0x1B8E;
	s24 =	sld [smem:$0x3FFE];
	[sflag:s23] =	ssyncadd.s32 $0xFFFFFFFF  }
0xa5: {  	s26 =	simm.s32 $execute0_lowered;
	[smem:$0x3FD2] =	sst s25  }
0xa6: {  	s5 =	sshll.u32 s26, $0x1;
	_ =	strace $0x80000046;
	[dreg:$0x1] =	wrdreg $0xFFFFFFFF  }
0xa7: {  	s28 =	simm.s32 $_size_execute0_lowered;
	s3 =	sadd.s32 s3, s5;
	[dreg:$0x0] =	wrdreg $0x0  }
0xa8: {  	s5 =	sshll.u32 s28, $0x1;
	[dreg:$0x2] =	wrdreg s3  }
0xa9: {  	[dreg:$0x3] =	wrdreg s5  }
0xaa: {  	[dreg:$0x4] =	wrdreg $0xC0  }
0xab: {  	_ =	task [dreg:s7], $0x5FFFF  }
0xac: {  	[dreg:$0x1] =	wrdreg $0xFFFFFFFF  }
0xad: {  	[dreg:$0x0] =	wrdreg $0x60  }
0xae: {  	[dreg:$0x2] =	wrdreg s2  }
0xaf: {  	[dreg:$0x3] =	wrdreg s24  }
0xb0: {  	[dreg:$0x4] =	wrdreg $0x9  }
0xb1: {  	_ =	task.clear_ibuf [dreg:s7], $0x5FFFF;
	_ =	strace $0x90000046  }
0xb2: {  	s29 =	simm.s32 $0x9;
	_ =	strace $0x80000048  }
0xb3: {  	_ =	swait.ge [sflag:s29], $0x1  }
0xb4: {  	[sflag:s29] =	ssyncadd.s32 $0xFFFFFFFF  }
0xb5: {  	_ =	strace $0x90000048  }
0xb6: {  	_ =	sfence  }
0xb7: {  	s30 =	sld [smem:$0x0];
	_ =	sdelay $0x2  }
0xb8: {  	s31 =	sshll.u32 s1, $0xD;
	s1 =	sshrl.u32 s1, $0x2  }
0xb9: {  	s3 =	sand.u32 $0x4000, s31;
	s1 =	sadd.s32 s1, s30  }
0xba: {  	s0 =	sor.u32 s3, s0;
	s1 =	sshll.u32 s1, $0x11  }
0xbb: {  	s0 =	sor.u32 s1, s0  }
0xbc: {  	s0 =	sadd.s32 $0x8F2B, s0  }
0xbd: {  	[sflag:s0] =	ssyncadd.remote.s32 $0x1  }
0xbe: {  	_ =	sfence.sel $0xFFFF  }
0xbf: {  	[dreg:$0x0] =	wrdreg $0xFFFFFFFF;
	(pc) =	sbr.abs _section_cstart, $3  }
0xc0: {  	[dreg:$0x1] =	wrdreg $0xFFFFFFFF  }
0xc1: {  	_ =	task.clear_ibuf [dreg:s7], $0x2FFFF;
	_ =	strace $0x9FFFFFFF  }
0xc2: {  	(tm) =	ssettm $0x7FFFFFFF  }
0xc3: {  	_ =	shalt  }
tec
execute0_lowered:
.L_overlay_start_1:
0x0: {  	(tag) =	ssettag $0x1  }
0x1: {  	s1 =	stileid.u32  }
0x2: {  	p0 =	sgt.u32 s1, $0x9  }
.Ltmp0:
0x3: {  	_ = 	snop;
	(pc) =	sbr.rel @p0 .LBB2_4-.Ltmp0, $4  }
0x4: {  	s3 =	rddreg [dreg:$0x0]  }
0x5: {  	s7 =	rddreg [dreg:$0x1];
	s2 =	simm.s32 $0x0  }
0x6: {  	[smem:$0x7FF] =	sst s2  }
0x7: {  	s0 =	rddreg [dreg:$0x2];
	_ =	strace $0x80000047  }
0x8: {  	s4 =	srdreg.scid  }
0x9: {  	s28 =	sshll.u32 s1, $0x8;
	s12 =	sand.u32 $0x1, s4  }
0xa: {  	s5 =	sshll.u32 s1, $0xB;
	s4 =	sand.u32 $0x300, s28;
	s6 =	sshll.u32 s12, $0x7  }
0xb: {  	s5 =	sand.u32 $0x6000, s5;
	s4 =	sor.u32 s6, s4  }
0xc: {  	s9 =	sor.u32 s5, s4  }
0xd: {  	s6 =	simm.s32 $0x2;
	s8 =	sshrl.u32 s9, $0x3  }
0xe: {  	s4 =	simm.s32 $0x80;
	s5 =	simm.s32 $0x400;
	s3 =	sadd.s32 s3, s8  }
0xf: {  	[tilespmem:s2], [sflag:$0x2] =	stream.strided.gather [hbm4b:s3+s4], $0x400, s5, s4, $0x38;
	[tilespmem:$0x400] =	vst v63  }
0x10: {  	s10 =	sadd.s32 $0x1200, s7;
	_ =	swait.ge [sflag:s6], $0x400  }
0x11: {  	s29 =	sadd.s32 $0x6000, s9;
	s11 =	sadd.s32 $0xC000, s9;
	[sflag:s6] =	ssyncset.done $0x0  }
0x12: {  	s7 =	sadd.s32 s10, s8;
	s8 =	sshrl.u32 s29, $0x3;
	[sflag:s6] =	ssyncadd.s32 $0xFFFFFC00  }
0x13: {  	[hbm4b:s7+s4] =	stream.strided.scatter [tilespmem:s2], [sflag:$0x1], $0x400, s5, s4, $0x38;
	[tilespmem:$0x400] =	vst v63  }
0x14: {  	s13 =	sadd.s32 $0x12000, s9;
	s11 =	sshrl.u32 s11, $0x3;
	s8 =	sadd.s32 s10, s8  }
0x15: {  	[hbm4b:s8+s4] =	stream.strided.scatter [tilespmem:s2], [sflag:$0x1], $0x400, s5, s4, $0x38;
	[tilespmem:$0x400] =	vst v63  }
0x16: {  	s30 =	sshrl.u32 s13, $0x3;
	s9 =	sadd.s32 s10, s11  }
0x17: {  	[hbm4b:s9+s4] =	stream.strided.scatter [tilespmem:s2], [sflag:$0x1], $0x400, s5, s4, $0x38;
	[tilespmem:$0x400] =	vst v63  }
0x18: {  	s11 =	sadd.s32 s10, s30;
	s10 =	simm.s32 $0x1  }
0x19: {  	[hbm4b:s11+s4] =	stream.strided.scatter [tilespmem:s2], [sflag:$0x1], $0x400, s5, s4, $0x38;
	[tilespmem:$0x400] =	vst v63  }
0x1a: {  	_ =	swait.ge [sflag:s10], $0x400  }
0x1b: {  	s12 =	ssub.s32 $0x2, s12;
	[sflag:s10] =	ssyncset.done $0x0  }
0x1c: {  	s31 =	sshrl.u32 s12, $0x1;
	[sflag:s10] =	ssyncadd.s32 $0xFFFFFC00  }
0x1d: {  	s12 =	ssub.s32 s12, s31;
	_ =	swait.ge [sflag:s10], $0x400  }
0x1e: {  	s12 =	smax.u32 s12, $0x1;
	[sflag:s10] =	ssyncset.done $0x0  }
0x1f: {  	p0 =	sne.s32 s12, $0x1;
	[sflag:s10] =	ssyncadd.s32 $0xFFFFFC00  }
.Ltmp1:
0x20: {  	_ =	swait.ge [sflag:s10], $0x400;
	(pc) =	sbr.rel @!p0 .LBB2_3-.Ltmp1, $4  }
0x21: {  	[sflag:s10] =	ssyncset.done $0x0  }
0x22: {  	[sflag:s10] =	ssyncadd.s32 $0xFFFFFC00  }
0x23: {  	_ =	swait.ge [sflag:s10], $0x400  }
0x24: {  	s12 =	sadd.s32 $0xFFFFFFFF, s12;
	[sflag:s10] =	ssyncset.done $0x0  }
.LBB2_2:
0x25: {  	p0 =	sne.s32 s12, $0x1;
	s12 =	sadd.s32 $0xFFFFFFFF, s12;
	[sflag:s10] =	ssyncadd.s32 $0xFFFFFC00  }
0x26: {  	[tilespmem:s2], [sflag:$0x2] =	stream.strided.gather [hbm4b:s3+s4], $0x400, s5, s4, $0x38;
	[tilespmem:$0x400] =	vst v63  }
0x27: {  	_ =	swait.ge [sflag:s6], $0x400  }
0x28: {  	[sflag:s6] =	ssyncset.done $0x0  }
0x29: {  	[sflag:s6] =	ssyncadd.s32 $0xFFFFFC00  }
0x2a: {  	[hbm4b:s7+s4] =	stream.strided.scatter [tilespmem:s2], [sflag:$0x1], $0x400, s5, s4, $0x38;
	[tilespmem:$0x400] =	vst v63  }
0x2b: {  	_ = 	snop  }
0x2c: {  	[hbm4b:s8+s4] =	stream.strided.scatter [tilespmem:s2], [sflag:$0x1], $0x400, s5, s4, $0x38;
	[tilespmem:$0x400] =	vst v63  }
0x2d: {  	_ = 	snop  }
0x2e: {  	[hbm4b:s9+s4] =	stream.strided.scatter [tilespmem:s2], [sflag:$0x1], $0x400, s5, s4, $0x38;
	[tilespmem:$0x400] =	vst v63  }
0x2f: {  	_ = 	snop  }
0x30: {  	[hbm4b:s11+s4] =	stream.strided.scatter [tilespmem:s2], [sflag:$0x1], $0x400, s5, s4, $0x38;
	[tilespmem:$0x400] =	vst v63  }
0x31: {  	_ =	swait.ge [sflag:s10], $0x400  }
0x32: {  	[sflag:s10] =	ssyncset.done $0x0  }
0x33: {  	[sflag:s10] =	ssyncadd.s32 $0xFFFFFC00  }
0x34: {  	_ =	swait.ge [sflag:s10], $0x400  }
0x35: {  	[sflag:s10] =	ssyncset.done $0x0  }
0x36: {  	[sflag:s10] =	ssyncadd.s32 $0xFFFFFC00  }
.Ltmp2:
0x37: {  	_ =	swait.ge [sflag:s10], $0x400;
	(pc) =	sbr.rel @p0 .LBB2_2-.Ltmp2, $4  }
0x38: {  	[sflag:s10] =	ssyncset.done $0x0  }
0x39: {  	[sflag:s10] =	ssyncadd.s32 $0xFFFFFC00  }
0x3a: {  	_ =	swait.ge [sflag:s10], $0x400  }
0x3b: {  	[sflag:s10] =	ssyncset.done $0x0  }
.LBB2_3:
0x3c: {  	[sflag:s10] =	ssyncadd.s32 $0xFFFFFC00  }
.LBB2_4:
0x3d: {  	_ =	sfence.sel $0x180000  }
0x3e: {  	[bflag:$0x0] =	sbarrier.arrive $0xFFFF  }
0x3f: {  	p0 =	sne.s32 s1, $0x0;
	_ =	strace $0x90000047  }
0x40: {  	s0 =	sadd.s32 @!p0 $0x100000, s0;
	[bflag:$0x2] =	sbarrier.arrive $0xFFFF  }
0x41: {  	[sflag:s0] =	ssyncadd.tile.s32 @!p0 $0x1;
	_ =	shalt  }
.Lfunc_end2:
_tile_overlayer_lowered:
.L_overlay_start_2:
0x42: {  	(tag) =	ssettag $0x2  }
0x43: {  	s0 =	rddreg [dreg:$0x0];
	s2 =	stileid.u32  }
0x44: {  	s1 =	rddreg [dreg:$0x1];
	p0 =	sne.s32 s2, $0x0  }
0x45: {  	s3 =	rddreg [dreg:$0x2];
	[bflag:$0x3] =	sbarrier.arrive $0xFFFF;
	s2 =	simm.s32 @!p0 $0x1C02  }
0x46: {  	[timem:s3], [sflag:s2] =	dma.local @!p0 [hbm:s0], s1  }
0x47: {  	s0 =	simm.s32 @!p0 $0x2  }
0x48: {  	_ =	swait.ge @!p0 [sflag:s0], s1  }
0x49: {  	s1 =	ssub.s32 @!p0 $0x0, s1;
	[sflag:s0] =	ssyncset.done @!p0 $0x0  }
0x4a: {  	[sflag:s0] =	ssyncadd.s32 @!p0 s1  }
0x4b: {  	[bflag:$0x3] =	sbarrier.arrive $0xFFFF  }
0x4c: {  	_ =	shalt  }

</sc_bundles>
